<compile_context>
chip_gen: v7x
topology: tpu7x:2x2x1
jax: 0.10.2.dev20260603
libtpu: 0.0.44.dev20260713+nightly
codegen_flags: <defaults>
</compile_context>

<pallas_src>
import functools

import jax
import jax.numpy as jnp
from jax import lax
from jax.experimental import pallas as pl
from jax.experimental.pallas import tpu as pltpu
from jax.experimental.pallas import tpu_sc as plsc

NC = 2
NS = 16
NW = NC * NS

CHUNK = 400
NBUF = 2


@functools.partial(jax.jit, static_argnums=(2,))
def _sc_gather(table128, idx, n):
    n_per_w = n // NW
    n_chunks = n_per_w // CHUNK

    mesh = plsc.VectorSubcoreMesh(core_axis_name="c", subcore_axis_name="s")

    @functools.partial(
        pl.kernel,
        mesh=mesh,
        out_type=jax.ShapeDtypeStruct((n, 128), jnp.float32),
        scratch_types=[
            [pltpu.VMEM((CHUNK,), jnp.int32)] * NBUF,
            [pltpu.VMEM((CHUNK, 128), jnp.float32)] * NBUF,
            [pltpu.SemaphoreType.DMA] * NBUF,
            [pltpu.SemaphoreType.DMA] * NBUF,
            [pltpu.SemaphoreType.DMA] * NBUF,
        ],
        compiler_params=pltpu.CompilerParams(use_tc_tiling_on_sc=True),
    )
    def k(table_hbm, idx_hbm, out_hbm, idx_v, rows_v, i_sems, g_sems, s_sems):
        wid = lax.axis_index("s") * NC + lax.axis_index("c")
        base = wid * n_per_w

        def idx_copy(g, b):
            return pltpu.make_async_copy(
                idx_hbm.at[pl.ds(base + g * CHUNK, CHUNK)], idx_v[b],
                i_sems[b])

        def store_copy(g, b):
            return pltpu.make_async_copy(
                rows_v[b], out_hbm.at[pl.ds(base + g * CHUNK, CHUNK)],
                s_sems[b])

        def chunk_step(g, b):
            @pl.when(g >= NBUF)
            def _():
                store_copy(g - NBUF, b).wait()

            idx_copy(g, b).wait()
            gather = pltpu.make_async_copy(
                table_hbm.at[idx_v[b]], rows_v[b], g_sems[b])
            gather.start()

            @pl.when(g + 1 < n_chunks)
            def _():
                idx_copy(g + 1, 1 - b).start()

            gather.wait()
            store_copy(g, b).start()

        idx_copy(0, 0).start()

        def body(p, carry):
            chunk_step(p * NBUF, 0)
            chunk_step(p * NBUF + 1, 1)
            return carry

        lax.fori_loop(0, n_chunks // NBUF, body, 0)
        store_copy(n_chunks - 2, 0).wait()
        store_copy(n_chunks - 1, 1).wait()

    return k(table128, idx)


def kernel(table, tensor, input_mask):
    v, d = table.shape
    b, l = tensor.shape
    n = b * l
    idx = tensor.reshape(n).astype(jnp.int32)
    table128 = jnp.pad(table, ((0, 0), (0, 128 - d)))
    emb = _sc_gather(table128, idx, n)[:, :d].reshape(b, l, d)
    mod_mask = jnp.zeros((b, l), dtype=jnp.int32)
    return (emb, emb, input_mask, mod_mask)

# --- scband reference (transcript-rebuilt; emitter-appended) ---
"""Pipeline reference for scband-stub-embed-13872744366732 (READ-ONLY COPY).

The authoritative reference and input builder live on the scoring server;
editing this copy changes nothing except your own understanding.
"""

import jax, jax.numpy as jnp
import numpy as np

VOCAB = 1000000
DIM = 64
B = 4096
L = 200

def setup_inputs(seed: int = 0) -> dict:
    key = jax.random.key(seed)
    k_tab, k_idx = jax.random.split(key)
    table = jax.random.normal(k_tab, (VOCAB, DIM), dtype=jnp.float32) * 0.02
    tensor = jax.random.randint(k_idx, (B, L), 0, VOCAB, dtype=jnp.int64)
    input_mask = jnp.ones((B, L), dtype=jnp.bool_)
    return {"table": table, "tensor": tensor, "input_mask": input_mask}

def reference(table, tensor, input_mask):
    # StubEmbed.forward: emb = token_emb(tensor); returns dict with tensor/emb,
    # passthrough input_mask, and an int mod_mask of zeros like input_mask.
    emb = jnp.take(table, tensor, axis=0)
    mod_mask = jnp.zeros(input_mask.shape, dtype=jnp.int32)
    return (emb, emb, input_mask, mod_mask)

if __name__ == "__main__":
    import jax
    _d = setup_inputs()
    print(jax.jit(kernel)(*tuple(_d.values())))

</pallas_src>

<mosaic_0001>
#map = affine_map<(d0, d1) -> (0, 0)>
#map1 = affine_map<(d0, d1) -> (0)>
module attributes {stable_mosaic.version = 14 : i64} {
  func.func @k(%arg0: i32, %arg1: i32, %arg2: memref<1000000x128xf32, #tpu.memory_space<hbm>>, %arg3: memref<819200xi32, #tpu.memory_space<hbm>>, %arg4: memref<819200x128xf32, #tpu.memory_space<hbm>>, %arg5: memref<400xi32, #tpu.memory_space<vmem>>, %arg6: memref<400xi32, #tpu.memory_space<vmem>>, %arg7: memref<400x128xf32, #tpu.memory_space<vmem>>, %arg8: memref<400x128xf32, #tpu.memory_space<vmem>>, %arg9: memref<!tpu.dma_semaphore, #tpu.memory_space<semaphore_mem>>, %arg10: memref<!tpu.dma_semaphore, #tpu.memory_space<semaphore_mem>>, %arg11: memref<!tpu.dma_semaphore, #tpu.memory_space<semaphore_mem>>, %arg12: memref<!tpu.dma_semaphore, #tpu.memory_space<semaphore_mem>>, %arg13: memref<!tpu.dma_semaphore, #tpu.memory_space<semaphore_mem>>, %arg14: memref<!tpu.dma_semaphore, #tpu.memory_space<semaphore_mem>>) attributes {dimension_semantics = [#tpu.dimension_semantics<core_parallel>, #tpu.dimension_semantics<subcore_parallel>], iteration_bounds = array<i64: 2, 16>, scalar_prefetch = 0 : i64, scratch_operands = 10 : i64, tpu.core_type = #tpu.core_type<sc_vector_subcore>, window_params = [{transform_indices = #map}, {transform_indices = #map1}, {transform_indices = #map}]} {
    %mul3A = arith.constant 2 : i32
    %mul3A_0 = arith.muli %arg1, %mul3A : i32
    %add3A = arith.addi %mul3A_0, %arg0 : i32
    %mul3A_1 = arith.constant 25600 : i32
    %mul3A_2 = arith.muli %add3A, %mul3A_1 : i32
    %add3A_3 = arith.constant 0 : i32
    %add3A_4 = arith.addi %mul3A_2, %add3A_3 : i32
    %dma_start3A = tpu.memref_slice %arg3[%add3A_4] : memref<819200xi32, #tpu.memory_space<hbm>> -> memref<400xi32, #tpu.memory_space<hbm>>
    %dma_start3A_5 = tpu.memref_slice %arg3[%add3A_4] : memref<819200xi32, #tpu.memory_space<hbm>> -> memref<400xi32, #tpu.memory_space<hbm>>
    tpu.enqueue_dma source(%dma_start3A_5 : memref<400xi32, #tpu.memory_space<hbm>>) target(%arg5 : memref<400xi32, #tpu.memory_space<vmem>>) target_semaphore(%arg9 : memref<!tpu.dma_semaphore, #tpu.memory_space<semaphore_mem>>)
    %scan3A = arith.constant 0 : i32
    %scan3A_6 = arith.constant 0 : i32
    %scan3A_7 = arith.constant 32 : i32
    %scan3A_8 = arith.addi %scan3A_6, %scan3A_7 : i32
    %scan3A_9 = arith.constant 1 : i32
    scf.for %scan3A_22 = %scan3A_6 to %scan3A_8 step %scan3A_9  : i32 {
      %mul3A_23 = arith.constant 2 : i32
      %mul3A_24 = arith.muli %scan3A_22, %mul3A_23 : i32
      %ge3A = arith.constant 2 : i32
      %ge3A_25 = arith.cmpi sge, %mul3A_24, %ge3A : i32
      %convert_element_type3A = arith.extui %ge3A_25 : i1 to i32
      %cond3A = arith.constant 0 : i32
      %cond3A_26 = arith.cmpi ne, %convert_element_type3A, %cond3A : i32
      scf.if %cond3A_26 {
        %sub3A = arith.constant 2 : i32
        %sub3A_85 = arith.subi %mul3A_24, %sub3A : i32
        %mul3A_86 = arith.constant 400 : i32
        %mul3A_87 = arith.muli %sub3A_85, %mul3A_86 : i32
        %add3A_88 = arith.addi %mul3A_2, %mul3A_87 : i32
        %dma_wait3A_89 = arith.constant 0 : i32
        %dma_wait3A_90 = tpu.memref_slice %arg4[%add3A_88, %dma_wait3A_89] : memref<819200x128xf32, #tpu.memory_space<hbm>> -> memref<400x128xf32, #tpu.memory_space<hbm>>
        %dma_wait3A_91 = arith.constant 0 : i32
        %dma_wait3A_92 = tpu.memref_slice %arg4[%add3A_88, %dma_wait3A_91] : memref<819200x128xf32, #tpu.memory_space<hbm>> -> memref<400x128xf32, #tpu.memory_space<hbm>>
        tpu.wait_dma2 semaphore(%arg13 : memref<!tpu.dma_semaphore, #tpu.memory_space<semaphore_mem>>) src(%arg7 : memref<400x128xf32, #tpu.memory_space<vmem>>) dst(%dma_wait3A_92 : memref<400x128xf32, #tpu.memory_space<hbm>>)
      } else {
      }
      %mul3A_27 = arith.constant 400 : i32
      %mul3A_28 = arith.muli %mul3A_24, %mul3A_27 : i32
      %add3A_29 = arith.addi %mul3A_2, %mul3A_28 : i32
      %dma_wait3A_30 = tpu.memref_slice %arg3[%add3A_29] : memref<819200xi32, #tpu.memory_space<hbm>> -> memref<400xi32, #tpu.memory_space<hbm>>
      %dma_wait3A_31 = tpu.memref_slice %arg3[%add3A_29] : memref<819200xi32, #tpu.memory_space<hbm>> -> memref<400xi32, #tpu.memory_space<hbm>>
      tpu.wait_dma2 semaphore(%arg9 : memref<!tpu.dma_semaphore, #tpu.memory_space<semaphore_mem>>) src(%dma_wait3A_31 : memref<400xi32, #tpu.memory_space<hbm>>) dst(%arg5 : memref<400xi32, #tpu.memory_space<vmem>>)
      %dma_start3A_32 = arith.constant 0 : i32
      %dma_start3A_33 = arith.constant 0 : i32
      %dma_start3A_34 = tpu.memref_slice %arg2[%dma_start3A_32, %dma_start3A_33] : memref<1000000x128xf32, #tpu.memory_space<hbm>> -> memref<1000000x128xf32, #tpu.memory_space<hbm>>
      tpu.enqueue_indirect_dma source(%dma_start3A_34 : memref<1000000x128xf32, #tpu.memory_space<hbm>>) target(%arg7 : memref<400x128xf32, #tpu.memory_space<vmem>>) offsets(%arg5 : memref<400xi32, #tpu.memory_space<vmem>>) semaphore(%arg11 : memref<!tpu.dma_semaphore, #tpu.memory_space<semaphore_mem>>)
      %add3A_35 = arith.constant 1 : i32
      %add3A_36 = arith.addi %mul3A_24, %add3A_35 : i32
      %lt3A = arith.constant 64 : i32
      %lt3A_37 = arith.cmpi slt, %add3A_36, %lt3A : i32
      %convert_element_type3A_38 = arith.extui %lt3A_37 : i1 to i32
      %cond3A_39 = arith.constant 0 : i32
      %cond3A_40 = arith.cmpi ne, %convert_element_type3A_38, %cond3A_39 : i32
      scf.if %cond3A_40 {
        %add3A_85 = arith.constant 1 : i32
        %add3A_86 = arith.addi %mul3A_24, %add3A_85 : i32
        %mul3A_87 = arith.constant 400 : i32
        %mul3A_88 = arith.muli %add3A_86, %mul3A_87 : i32
        %add3A_89 = arith.addi %mul3A_2, %mul3A_88 : i32
        %dma_start3A_90 = tpu.memref_slice %arg3[%add3A_89] : memref<819200xi32, #tpu.memory_space<hbm>> -> memref<400xi32, #tpu.memory_space<hbm>>
        %dma_start3A_91 = tpu.memref_slice %arg3[%add3A_89] : memref<819200xi32, #tpu.memory_space<hbm>> -> memref<400xi32, #tpu.memory_space<hbm>>
        tpu.enqueue_dma source(%dma_start3A_91 : memref<400xi32, #tpu.memory_space<hbm>>) target(%arg6 : memref<400xi32, #tpu.memory_space<vmem>>) target_semaphore(%arg10 : memref<!tpu.dma_semaphore, #tpu.memory_space<semaphore_mem>>)
      } else {
      }
      %dma_wait3A_41 = arith.constant 0 : i32
      %dma_wait3A_42 = arith.constant 0 : i32
      %dma_wait3A_43 = tpu.memref_slice %arg2[%dma_wait3A_41, %dma_wait3A_42] : memref<1000000x128xf32, #tpu.memory_space<hbm>> -> memref<1000000x128xf32, #tpu.memory_space<hbm>>
      tpu.wait_indirect_dma semaphore(%arg11 : memref<!tpu.dma_semaphore, #tpu.memory_space<semaphore_mem>>) src(%dma_wait3A_43 : memref<1000000x128xf32, #tpu.memory_space<hbm>>) dst(%arg7 : memref<400x128xf32, #tpu.memory_space<vmem>>)
      %mul3A_44 = arith.constant 400 : i32
      %mul3A_45 = arith.muli %mul3A_24, %mul3A_44 : i32
      %add3A_46 = arith.addi %mul3A_2, %mul3A_45 : i32
      %dma_start3A_47 = arith.constant 0 : i32
      %dma_start3A_48 = tpu.memref_slice %arg4[%add3A_46, %dma_start3A_47] : memref<819200x128xf32, #tpu.memory_space<hbm>> -> memref<400x128xf32, #tpu.memory_space<hbm>>
      %dma_start3A_49 = arith.constant 0 : i32
      %dma_start3A_50 = tpu.memref_slice %arg4[%add3A_46, %dma_start3A_49] : memref<819200x128xf32, #tpu.memory_space<hbm>> -> memref<400x128xf32, #tpu.memory_space<hbm>>
      tpu.enqueue_dma source(%arg7 : memref<400x128xf32, #tpu.memory_space<vmem>>) target(%dma_start3A_50 : memref<400x128xf32, #tpu.memory_space<hbm>>) target_semaphore(%arg13 : memref<!tpu.dma_semaphore, #tpu.memory_space<semaphore_mem>>)
      %mul3A_51 = arith.constant 2 : i32
      %mul3A_52 = arith.muli %scan3A_22, %mul3A_51 : i32
      %add3A_53 = arith.constant 1 : i32
      %add3A_54 = arith.addi %mul3A_52, %add3A_53 : i32
      %ge3A_55 = arith.constant 2 : i32
      %ge3A_56 = arith.cmpi sge, %add3A_54, %ge3A_55 : i32
      %convert_element_type3A_57 = arith.extui %ge3A_56 : i1 to i32
      %cond3A_58 = arith.constant 0 : i32
      %cond3A_59 = arith.cmpi ne, %convert_element_type3A_57, %cond3A_58 : i32
      scf.if %cond3A_59 {
        %sub3A = arith.constant 2 : i32
        %sub3A_85 = arith.subi %add3A_54, %sub3A : i32
        %mul3A_86 = arith.constant 400 : i32
        %mul3A_87 = arith.muli %sub3A_85, %mul3A_86 : i32
        %add3A_88 = arith.addi %mul3A_2, %mul3A_87 : i32
        %dma_wait3A_89 = arith.constant 0 : i32
        %dma_wait3A_90 = tpu.memref_slice %arg4[%add3A_88, %dma_wait3A_89] : memref<819200x128xf32, #tpu.memory_space<hbm>> -> memref<400x128xf32, #tpu.memory_space<hbm>>
        %dma_wait3A_91 = arith.constant 0 : i32
        %dma_wait3A_92 = tpu.memref_slice %arg4[%add3A_88, %dma_wait3A_91] : memref<819200x128xf32, #tpu.memory_space<hbm>> -> memref<400x128xf32, #tpu.memory_space<hbm>>
        tpu.wait_dma2 semaphore(%arg14 : memref<!tpu.dma_semaphore, #tpu.memory_space<semaphore_mem>>) src(%arg8 : memref<400x128xf32, #tpu.memory_space<vmem>>) dst(%dma_wait3A_92 : memref<400x128xf32, #tpu.memory_space<hbm>>)
      } else {
      }
      %mul3A_60 = arith.constant 400 : i32
      %mul3A_61 = arith.muli %add3A_54, %mul3A_60 : i32
      %add3A_62 = arith.addi %mul3A_2, %mul3A_61 : i32
      %dma_wait3A_63 = tpu.memref_slice %arg3[%add3A_62] : memref<819200xi32, #tpu.memory_space<hbm>> -> memref<400xi32, #tpu.memory_space<hbm>>
      %dma_wait3A_64 = tpu.memref_slice %arg3[%add3A_62] : memref<819200xi32, #tpu.memory_space<hbm>> -> memref<400xi32, #tpu.memory_space<hbm>>
      tpu.wait_dma2 semaphore(%arg10 : memref<!tpu.dma_semaphore, #tpu.memory_space<semaphore_mem>>) src(%dma_wait3A_64 : memref<400xi32, #tpu.memory_space<hbm>>) dst(%arg6 : memref<400xi32, #tpu.memory_space<vmem>>)
      %dma_start3A_65 = arith.constant 0 : i32
      %dma_start3A_66 = arith.constant 0 : i32
      %dma_start3A_67 = tpu.memref_slice %arg2[%dma_start3A_65, %dma_start3A_66] : memref<1000000x128xf32, #tpu.memory_space<hbm>> -> memref<1000000x128xf32, #tpu.memory_space<hbm>>
      tpu.enqueue_indirect_dma source(%dma_start3A_67 : memref<1000000x128xf32, #tpu.memory_space<hbm>>) target(%arg8 : memref<400x128xf32, #tpu.memory_space<vmem>>) offsets(%arg6 : memref<400xi32, #tpu.memory_space<vmem>>) semaphore(%arg12 : memref<!tpu.dma_semaphore, #tpu.memory_space<semaphore_mem>>)
      %add3A_68 = arith.constant 1 : i32
      %add3A_69 = arith.addi %add3A_54, %add3A_68 : i32
      %lt3A_70 = arith.constant 64 : i32
      %lt3A_71 = arith.cmpi slt, %add3A_69, %lt3A_70 : i32
      %convert_element_type3A_72 = arith.extui %lt3A_71 : i1 to i32
      %cond3A_73 = arith.constant 0 : i32
      %cond3A_74 = arith.cmpi ne, %convert_element_type3A_72, %cond3A_73 : i32
      scf.if %cond3A_74 {
        %add3A_85 = arith.constant 1 : i32
        %add3A_86 = arith.addi %add3A_54, %add3A_85 : i32
        %mul3A_87 = arith.constant 400 : i32
        %mul3A_88 = arith.muli %add3A_86, %mul3A_87 : i32
        %add3A_89 = arith.addi %mul3A_2, %mul3A_88 : i32
        %dma_start3A_90 = tpu.memref_slice %arg3[%add3A_89] : memref<819200xi32, #tpu.memory_space<hbm>> -> memref<400xi32, #tpu.memory_space<hbm>>
        %dma_start3A_91 = tpu.memref_slice %arg3[%add3A_89] : memref<819200xi32, #tpu.memory_space<hbm>> -> memref<400xi32, #tpu.memory_space<hbm>>
        tpu.enqueue_dma source(%dma_start3A_91 : memref<400xi32, #tpu.memory_space<hbm>>) target(%arg5 : memref<400xi32, #tpu.memory_space<vmem>>) target_semaphore(%arg9 : memref<!tpu.dma_semaphore, #tpu.memory_space<semaphore_mem>>)
      } else {
      }
      %dma_wait3A_75 = arith.constant 0 : i32
      %dma_wait3A_76 = arith.constant 0 : i32
      %dma_wait3A_77 = tpu.memref_slice %arg2[%dma_wait3A_75, %dma_wait3A_76] : memref<1000000x128xf32, #tpu.memory_space<hbm>> -> memref<1000000x128xf32, #tpu.memory_space<hbm>>
      tpu.wait_indirect_dma semaphore(%arg12 : memref<!tpu.dma_semaphore, #tpu.memory_space<semaphore_mem>>) src(%dma_wait3A_77 : memref<1000000x128xf32, #tpu.memory_space<hbm>>) dst(%arg8 : memref<400x128xf32, #tpu.memory_space<vmem>>)
      %mul3A_78 = arith.constant 400 : i32
      %mul3A_79 = arith.muli %add3A_54, %mul3A_78 : i32
      %add3A_80 = arith.addi %mul3A_2, %mul3A_79 : i32
      %dma_start3A_81 = arith.constant 0 : i32
      %dma_start3A_82 = tpu.memref_slice %arg4[%add3A_80, %dma_start3A_81] : memref<819200x128xf32, #tpu.memory_space<hbm>> -> memref<400x128xf32, #tpu.memory_space<hbm>>
      %dma_start3A_83 = arith.constant 0 : i32
      %dma_start3A_84 = tpu.memref_slice %arg4[%add3A_80, %dma_start3A_83] : memref<819200x128xf32, #tpu.memory_space<hbm>> -> memref<400x128xf32, #tpu.memory_space<hbm>>
      tpu.enqueue_dma source(%arg8 : memref<400x128xf32, #tpu.memory_space<vmem>>) target(%dma_start3A_84 : memref<400x128xf32, #tpu.memory_space<hbm>>) target_semaphore(%arg14 : memref<!tpu.dma_semaphore, #tpu.memory_space<semaphore_mem>>)
    }
    %scan3A_10 = arith.constant 32 : i32
    %add3A_11 = arith.constant 24800 : i32
    %add3A_12 = arith.addi %mul3A_2, %add3A_11 : i32
    %dma_wait3A = arith.constant 0 : i32
    %dma_wait3A_13 = tpu.memref_slice %arg4[%add3A_12, %dma_wait3A] : memref<819200x128xf32, #tpu.memory_space<hbm>> -> memref<400x128xf32, #tpu.memory_space<hbm>>
    %dma_wait3A_14 = arith.constant 0 : i32
    %dma_wait3A_15 = tpu.memref_slice %arg4[%add3A_12, %dma_wait3A_14] : memref<819200x128xf32, #tpu.memory_space<hbm>> -> memref<400x128xf32, #tpu.memory_space<hbm>>
    tpu.wait_dma2 semaphore(%arg13 : memref<!tpu.dma_semaphore, #tpu.memory_space<semaphore_mem>>) src(%arg7 : memref<400x128xf32, #tpu.memory_space<vmem>>) dst(%dma_wait3A_15 : memref<400x128xf32, #tpu.memory_space<hbm>>)
    %add3A_16 = arith.constant 25200 : i32
    %add3A_17 = arith.addi %mul3A_2, %add3A_16 : i32
    %dma_wait3A_18 = arith.constant 0 : i32
    %dma_wait3A_19 = tpu.memref_slice %arg4[%add3A_17, %dma_wait3A_18] : memref<819200x128xf32, #tpu.memory_space<hbm>> -> memref<400x128xf32, #tpu.memory_space<hbm>>
    %dma_wait3A_20 = arith.constant 0 : i32
    %dma_wait3A_21 = tpu.memref_slice %arg4[%add3A_17, %dma_wait3A_20] : memref<819200x128xf32, #tpu.memory_space<hbm>> -> memref<400x128xf32, #tpu.memory_space<hbm>>
    tpu.wait_dma2 semaphore(%arg14 : memref<!tpu.dma_semaphore, #tpu.memory_space<semaphore_mem>>) src(%arg8 : memref<400x128xf32, #tpu.memory_space<vmem>>) dst(%dma_wait3A_21 : memref<400x128xf32, #tpu.memory_space<hbm>>)
    return
  }
}

</mosaic_0001>

<sc_bundles>
// kernel: _sc_gather.3.cloned.1.call-start
scs
__scs_entry_jumppad:
0x0: {  	(pc) =	sbr.rel $0x88, $3  }
0x1: {  	(tag) =	ssettag $0x0;
	lr =	simm.s32 $0x1  }
0x2: {  	[smem:$0x3F9F] =	sst lr;
	_ =	strace $0xD0000000  }
0x3: {  	_ = 	snop  }
0x4: {  	_ = 	snop  }
0x5: {  	_ = 	snop  }
0x6: {  	_ = 	snop  }
0x7: {  	_ = 	snop  }
__scs_overlays_trampoline_lowered:
0x8: {  	[smem:$0x3FAE] =	sst s0  }
0x9: {  	[smem:$0x3FAF] =	sst s1  }
0xa: {  	[smem:$0x3FB0] =	sst s2  }
0xb: {  	[smem:$0x3FB1] =	sst s3  }
0xc: {  	[smem:$0x3FB2] =	sst s4  }
0xd: {  	[smem:$0x3FB3] =	sst s5  }
0xe: {  	[smem:$0x3FB4] =	sst s6  }
0xf: {  	[smem:$0x3FB5] =	sst s7  }
0x10: {  	[smem:$0x3FB6] =	sst s8  }
0x11: {  	[smem:$0x3FB7] =	sst s9;
	s0 =	simm.s32 @!p0 $0x0  }
0x12: {  	s1 =	sld [smem:$0x3F9D];
	s0 =	simm.s32 @p0 $0x1  }
0x13: {  	[smem:$0x3FB8] =	sst s0;
	s0 =	simm.s32 @!p1 $0x0  }
0x14: {  	s2 =	sld [smem:$0x3F9C];
	s0 =	simm.s32 @p1 $0x1  }
0x15: {  	[smem:$0x3FB9] =	sst s0;
	s0 =	simm.s32 @!p2 $0x0  }
0x16: {  	s3 =	sld [smem:$0x3FDB];
	s0 =	simm.s32 @p2 $0x1  }
0x17: {  	s4 =	simm.s32 $0x1BF5;
	[smem:$0x3FBB] =	sst s0  }
0x18: {  	s0 =	sld [smem:$0x3F9E];
	_ =	swait.ge [sflag:s4], $0x0  }
0x19: {  	s7 =	sld [smem:$0x3F9F]  }
0x1a: {  	s8 =	sadd.s32 $0xFFFFE003, lr  }
0x1b: {  	s9 =	sadd.s32 $0xFFFFFEF7, lr;
	s5 =	simm.s32 $0xFFFFFFFF;
	p2 =	slt.u32 s8, $0xFFFFF086  }
0x1c: {  	p1 =	slt.u32 s9, $0xF7A;
	s5 =	simm.s32 @!p2 $0x0  }
0x1d: {  	s5 =	simm.s32 @p1 $0x1;
	p0 =	seq.s32 s7, s2  }
0x1e: {  	s7 =	smul.u32 @!p0 $0xF7A, s2;
	p2 =	seq.s32 @!p0 s5, $0x0  }
0x1f: {  	s9 =	smul.u32 $0xF7A, s1;
	s8 =	simm.s32 @!p0 $0x1BF5;
	p2 =	por !p2, p0  }
0x20: {  	[sflag:s8] =	ssyncset.s32 @!p0 $0xFFFFF086;
	s6 =	sadd.s32 @!p0 s3, s7;
	s7 =	simm.s32 @!p0 $0x108  }
0x21: {  	s3 =	sadd.s32 s3, s9;
	s6 =	sadd.s32 @!p0 $0x88, s6;
	s7 =	simm.s32 @p2 $0x1082  }
0x22: {  	[simem:s7], [sflag:s8] =	dma.local @!p0 [hbm:s6], $0xF7A  }
0x23: {  	s9 =	sor.u32 $0xD0000000, s2;
	s6 =	simm.s32 $0x108;
	_ =	swait.ge @!p0 [sflag:s8], $0x0  }
0x24: {  	s3 =	sadd.s32 $0x88, s3;
	s6 =	simm.s32 @!p1 $0x1082;
	[sflag:s4] =	ssyncset.s32 $0xFFFFF086  }
0x25: {  	[simem:s6], [sflag:s4] =	dma.local [hbm:s3], $0xF7A  }
0x26: {  	[smem:$0x3F9F] =	sst s1;
	(tag) =	ssettag s2;
	_ =	strace s9  }
0x27: {  	s1 =	sld [smem:$0x3FAF]  }
0x28: {  	s2 =	sld [smem:$0x3FB0]  }
0x29: {  	s4 =	sld [smem:$0x3FB2]  }
0x2a: {  	p0 =	seq.s32 s5, $0x0;
	s5 =	sld [smem:$0x3FB3]  }
0x2b: {  	s6 =	sld [smem:$0x3FB4]  }
0x2c: {  	s7 =	sld [smem:$0x3FB5]  }
0x2d: {  	s3 =	simm.s32 $0x108;
	s8 =	sld [smem:$0x3FB6]  }
0x2e: {  	s3 =	simm.s32 @!p0 $0x1082;
	s9 =	sld [smem:$0x3FB7]  }
0x2f: {  	lr =	sadd.s32 s0, s3;
	s0 =	sld [smem:$0x3FAE]  }
0x30: {  	s3 =	sld [smem:$0x3FB1]  }
0x31: {  	[smem:$0x3FBA] =	sst s10  }
0x32: {  	s10 =	sld [smem:$0x3FB8];
	_ =	sdelay $0x3  }
0x33: {  	p0 =	seq.s32 s10, $0x1;
	s10 =	sld [smem:$0x3FBA];
	_ =	sdelay $0x3  }
0x34: {  	[smem:$0x3FBA] =	sst s10  }
0x35: {  	s10 =	sld [smem:$0x3FB9];
	_ =	sdelay $0x3  }
0x36: {  	p1 =	seq.s32 s10, $0x1;
	s10 =	sld [smem:$0x3FBA];
	_ =	sdelay $0x3  }
0x37: {  	[smem:$0x3FBA] =	sst s10  }
0x38: {  	s10 =	sld [smem:$0x3FBB]  }
0x39: {  	_ = 	snop;
	(pc) =	sbr.ind lr, $3  }
0x3a: {  	_ = 	snop  }
0x3b: {  	_ = 	snop  }
0x3c: {  	p2 =	seq.s32 s10, $0x1;
	s10 =	sld [smem:$0x3FBA]  }
0x3d: {  	_ =	shalt  }
0x3e: {  	_ =	shalt  }
0x3f: {  	_ =	shalt  }
0x40: {  	_ =	shalt  }
0x41: {  	_ =	shalt  }
0x42: {  	_ =	shalt  }
0x43: {  	_ =	shalt  }
0x44: {  	_ =	shalt  }
0x45: {  	_ =	shalt  }
0x46: {  	_ =	shalt  }
0x47: {  	_ =	shalt  }
0x48: {  	_ =	shalt  }
0x49: {  	_ =	shalt  }
0x4a: {  	_ =	shalt  }
0x4b: {  	_ =	shalt  }
0x4c: {  	_ =	shalt  }
0x4d: {  	_ =	shalt  }
0x4e: {  	_ =	shalt  }
0x4f: {  	_ =	shalt  }
0x50: {  	_ =	shalt  }
0x51: {  	_ =	shalt  }
0x52: {  	_ =	shalt  }
0x53: {  	_ =	shalt  }
0x54: {  	_ =	shalt  }
0x55: {  	_ =	shalt  }
0x56: {  	_ =	shalt  }
0x57: {  	_ =	shalt  }
0x58: {  	_ =	shalt  }
0x59: {  	_ =	shalt  }
0x5a: {  	_ =	shalt  }
0x5b: {  	_ =	shalt  }
0x5c: {  	_ =	shalt  }
0x5d: {  	_ =	shalt  }
0x5e: {  	_ =	shalt  }
0x5f: {  	_ =	shalt  }
0x60: {  	_ =	shalt  }
0x61: {  	_ =	shalt  }
0x62: {  	_ =	shalt  }
0x63: {  	_ =	shalt  }
0x64: {  	_ =	shalt  }
0x65: {  	_ =	shalt  }
0x66: {  	_ =	shalt  }
0x67: {  	_ =	shalt  }
0x68: {  	_ =	shalt  }
0x69: {  	_ =	shalt  }
0x6a: {  	_ =	shalt  }
0x6b: {  	_ =	shalt  }
0x6c: {  	_ =	shalt  }
0x6d: {  	_ =	shalt  }
0x6e: {  	_ =	shalt  }
0x6f: {  	_ =	shalt  }
0x70: {  	_ =	shalt  }
0x71: {  	_ =	shalt  }
0x72: {  	_ =	shalt  }
0x73: {  	_ =	shalt  }
0x74: {  	_ =	shalt  }
0x75: {  	_ =	shalt  }
0x76: {  	_ =	shalt  }
0x77: {  	_ =	shalt  }
0x78: {  	_ =	shalt  }
0x79: {  	_ =	shalt  }
0x7a: {  	_ =	shalt  }
0x7b: {  	_ =	shalt  }
0x7c: {  	_ =	shalt  }
0x7d: {  	_ =	shalt  }
0x7e: {  	_ =	shalt  }
0x7f: {  	_ =	shalt  }
0x80: {  	_ =	shalt  }
0x81: {  	_ =	shalt  }
0x82: {  	_ =	shalt  }
0x83: {  	_ =	shalt  }
0x84: {  	_ =	shalt  }
0x85: {  	_ =	shalt  }
0x86: {  	_ =	shalt  }
0x87: {  	_ =	shalt  }
.Lfunc_end0:
.L_simem_size_0:
called_computation_lowered:
.L_overlay_start_0:
0x88: {  	s2 =	sld [smem:$0x3FD9]  }
0x89: {  	s3 =	sld [smem:$0x3FFE];
	_ =	sdelay $0x1  }
0x8a: {  	s1 =	srdreg.scid  }
0x8b: {  	s0 =	sand.u32 $0x1, s1  }
0x8c: {  	s18 =	sshll.u32 s0, $0xA;
	s2 =	sadd.s32 s3, s2  }
0x8d: {  	s2 =	sadd.s32 s2, s18  }
0x8e: {  	[smem:$0x3FC6] =	sst s2  }
0x8f: {  	_ = 	snop  }
0x90: {  	s2 =	sld [smem:$0x3FC9]  }
0x91: {  	s19 =	sld [smem:$0x3FC8]  }
0x92: {  	s4 =	sld [smem:$0x3FD0];
	(tm) =	ssettm $0x1  }
0x93: {  	s5 =	sld [smem:$0x3FFB];
	_ =	sdelay $0x3  }
0x94: {  	_ =	strace s5  }
0x95: {  	s5 =	sld [smem:$0x3FFC];
	_ =	sdelay $0x3  }
0x96: {  	_ =	strace s5  }
0x97: {  	s5 =	sld [smem:$0x3FFD];
	_ =	sdelay $0x3  }
0x98: {  	_ =	strace s5  }
0x99: {  	_ =	strace $0x8FFFFFFF  }
0x9a: {  	s20 =	sld [smem:$0x3FDB];
	_ =	sdelay $0x1  }
0x9b: {  	s6 =	simm.s32 $_scs_section_size  }
0x9c: {  	s7 =	simm.s32 $_size__tile_overlayer_lowered;
	s8 =	simm.s32 $_tile_overlayer_lowered  }
0x9d: {  	s23 =	simm.s32 $0x1BFF;
	s22 =	sshll.u32 s8, $0x1;
	s5 =	sadd.s32 s6, s20  }
0x9e: {  	s9 =	simm.s32 $0x0;
	s21 =	sshll.u32 s7, $0x1;
	s7 =	sadd.s32 s22, s5  }
0x9f: {  	[timem:s9], [sflag:s23] =	dma.local [hbm:s7], s21  }
0xa0: {  	_ =	swait.ge [sflag:s23], s21  }
0xa1: {  	s6 =	ssub.s32 $0x0, s21;
	[sflag:s23] =	ssyncset.done $0x0  }
0xa2: {  	[sflag:s23] =	ssyncadd.s32 s6;
	_ =	sdelay $0x1  }
0xa3: {  	s24 =	simm.s32 $0x1B8B  }
0xa4: {  	_ =	swait.ge [sflag:s24], $0x1  }
0xa5: {  	[sflag:s24] =	ssyncset.done $0x0  }
0xa6: {  	s25 =	simm.s32 $0x1B8E;
	[sflag:s24] =	ssyncadd.s32 $0xFFFFFFFF  }
0xa7: {  	s26 =	simm.s32 $execute0_lowered;
	[smem:$0x3FD2] =	sst s25  }
0xa8: {  	s6 =	sshll.u32 s26, $0x1;
	_ =	strace $0x80000046;
	[dreg:$0x1] =	wrdreg $0xFFFFFFFF  }
0xa9: {  	s28 =	simm.s32 $_size_execute0_lowered;
	s5 =	sadd.s32 s5, s6;
	[dreg:$0x0] =	wrdreg $0x0  }
0xaa: {  	s6 =	sshll.u32 s28, $0x1;
	[dreg:$0x2] =	wrdreg s5  }
0xab: {  	[dreg:$0x3] =	wrdreg s6  }
0xac: {  	[dreg:$0x4] =	wrdreg $0xC0  }
0xad: {  	_ =	task [dreg:s9], $0x5FFFF  }
0xae: {  	[dreg:$0x1] =	wrdreg $0xFFFFFFFF  }
0xaf: {  	[dreg:$0x0] =	wrdreg $0x60  }
0xb0: {  	[dreg:$0x2] =	wrdreg s2  }
0xb1: {  	[dreg:$0x3] =	wrdreg s19  }
0xb2: {  	[dreg:$0x4] =	wrdreg s4  }
0xb3: {  	[dreg:$0x5] =	wrdreg $0x9  }
0xb4: {  	_ =	task.clear_ibuf [dreg:s9], $0x6FFFF;
	_ =	strace $0x90000046  }
0xb5: {  	s29 =	simm.s32 $0x9;
	_ =	strace $0x80000048  }
0xb6: {  	_ =	swait.ge [sflag:s29], $0x1  }
0xb7: {  	[sflag:s29] =	ssyncadd.s32 $0xFFFFFFFF  }
0xb8: {  	_ =	strace $0x90000048  }
0xb9: {  	_ =	sfence  }
0xba: {  	s30 =	sld [smem:$0x0];
	_ =	sdelay $0x2  }
0xbb: {  	s31 =	sshll.u32 s1, $0xD;
	s1 =	sshrl.u32 s1, $0x2  }
0xbc: {  	s3 =	sand.u32 $0x4000, s31;
	s1 =	sadd.s32 s1, s30  }
0xbd: {  	s0 =	sor.u32 s3, s0;
	s1 =	sshll.u32 s1, $0x11  }
0xbe: {  	s0 =	sor.u32 s1, s0  }
0xbf: {  	s0 =	sadd.s32 $0x8F2B, s0  }
0xc0: {  	[sflag:s0] =	ssyncadd.remote.s32 $0x1  }
0xc1: {  	_ =	sfence.sel $0xFFFF  }
0xc2: {  	[dreg:$0x0] =	wrdreg $0xFFFFFFFF;
	(pc) =	sbr.abs _section_cstart, $3  }
0xc3: {  	[dreg:$0x1] =	wrdreg $0xFFFFFFFF  }
0xc4: {  	_ =	task.clear_ibuf [dreg:s9], $0x2FFFF;
	_ =	strace $0x9FFFFFFF  }
0xc5: {  	(tm) =	ssettm $0x7FFFFFFF  }
tec
execute0_lowered:
.L_overlay_start_1:
0x0: {  	(tag) =	ssettag $0x1  }
0x1: {  	s1 =	rddreg [dreg:$0x0]  }
0x2: {  	s14 =	rddreg [dreg:$0x1];
	s2 =	srdreg.scid  }
0x3: {  	s0 =	stileid.u32;
	s10 =	rddreg [dreg:$0x2]  }
0x4: {  	s17 =	simm.s32 $0x400;
	s18 =	simm.s32 $0x200;
	s19 =	simm.s32 $0x3  }
0x5: {  	s20 =	simm.s32 $0x2;
	s21 =	simm.s32 $0xCC00;
	s13 =	smul.u32 $0xC8000, s0  }
0x6: {  	s22 =	simm.s32 $0x4;
	s9 =	sand.u32 $0x1, s2;
	s15 =	smul.u32 $0xC800, s0  }
0x7: {  	s3 =	sshll.u32 s0, $0x1;
	s2 =	rddreg [dreg:$0x3];
	s26 =	smul.u32 $0x6400, s9  }
0x8: {  	s5 =	sor.u32 s9, s3;
	s3 =	simm.s32 $0x0;
	s16 =	smul.u32 $0x64000, s9  }
0x9: {  	s4 =	ssub.s32 $0x2, s9;
	s6 =	smul.u32 $0x6400, s5;
	[smem:$0x7FF] =	sst s3  }
0xa: {  	s7 =	sshrl.u32 s4, $0x1;
	s8 =	smul.u32 $0x64000, s5;
	s28 =	sadd.s32 s13, s10  }
0xb: {  	_ =	strace $0x80000047;
	s7 =	ssub.s32 s4, s7;
	s23 =	sshrl.u32 s6, $0x3  }
0xc: {  	s11 =	sor.u32 $0x190, s6;
	s12 =	sor.u32 $0x320, s6;
	s5 =	smax.u32 s7, $0x1  }
0xd: {  	s7 =	sadd.s32 s10, s8;
	s4 =	sadd.s32 s14, s23;
	s24 =	sshrl.u32 s11, $0x3  }
0xe: {  	s25 =	sshrl.u32 s12, $0x3;
	s11 =	sshll.u32 s11, $0x4;
	s12 =	sadd.s32 s26, s15  }
0xf: {  	s23 =	simm.s32 $0x5;
	s6 =	sadd.s32 s14, s24;
	s8 =	sadd.s32 s14, s25  }
0x10: {  	s9 =	sadd.s32 s10, s11;
	s10 =	sadd.s32 $0x60E00, s7;
	s11 =	sadd.s32 s16, s28  }
0x11: {  	s29 =	sadd.s32 $0x7D0, s12;
	s15 =	sadd.s32 $0x4B0, s12;
	s30 =	sadd.s32 $0x640, s12  }
0x12: {  	s16 =	simm.s32 $0x190;
	s24 =	simm.s32 $0x6;
	s13 =	sshrl.u32 s29, $0x3  }
0x13: {  	s25 =	simm.s32 $0x0;
	s11 =	sadd.s32 $0x4B00, s11;
	s13 =	sadd.s32 s13, s14  }
0x14: {  	s15 =	sshrl.u32 s15, $0x3;
	s31 =	sshrl.u32 s30, $0x3;
	s12 =	sadd.s32 $0xFFFFFF9C, s13  }
0x15: {  	s13 =	sadd.s32 s15, s14;
	s14 =	sadd.s32 s31, s14;
	s15 =	simm.s32 $0x1  }
.LBB2_1:
0x16: {  	[tilespmem:s3], [sflag:$0x1] =	stream.linear.gather [hbm4b:s4+s3], $0x190, $0x38;
	[tilespmem:$0x19400] =	vst v63  }
0x17: {  	_ =	swait.ge [sflag:s15], $0x190  }
0x18: {  	[sflag:s15] =	ssyncset.done $0x0  }
0x19: {  	[sflag:s15] =	ssyncadd.s32 $0xFFFFFE70  }
0x1a: {  	[tilespmem:s17], [sflag:$0x3] =	stream.indirect.gather [hbm4b:s1+s16], $0x80, s3, s16, $0xb8;
	[tilespmem:$0x19400] =	vst v63  }
0x1b: {  	_ = 	snop  }
0x1c: {  	[tilespmem:s18], [sflag:$0x2] =	stream.linear.gather [hbm4b:s6+s3], $0x190, $0x38;
	[tilespmem:$0x19400] =	vst v63  }
0x1d: {  	_ =	swait.ge [sflag:s19], $0xC800  }
0x1e: {  	[sflag:s19] =	ssyncset.done $0x0  }
0x1f: {  	[sflag:s19] =	ssyncadd.s32 $0xFFFF3800  }
0x20: {  	[hbm4b:s7+s3] =	stream.linear.scatter [tilespmem:s17], [sflag:$0x5], $0xC800, $0x38;
	[tilespmem:$0x19400] =	vst v63  }
0x21: {  	_ =	swait.ge [sflag:s20], $0x190  }
0x22: {  	[sflag:s20] =	ssyncset.done $0x0  }
0x23: {  	[sflag:s20] =	ssyncadd.s32 $0xFFFFFE70  }
0x24: {  	[tilespmem:s21], [sflag:$0x4] =	stream.indirect.gather [hbm4b:s1+s16], $0x80, s18, s16, $0xb8;
	[tilespmem:$0x19400] =	vst v63  }
0x25: {  	_ = 	snop  }
0x26: {  	[tilespmem:s3], [sflag:$0x1] =	stream.linear.gather [hbm4b:s8+s3], $0x190, $0x38;
	[tilespmem:$0x19400] =	vst v63  }
0x27: {  	_ =	swait.ge [sflag:s22], $0xC800  }
0x28: {  	[sflag:s22] =	ssyncset.done $0x0  }
0x29: {  	[sflag:s22] =	ssyncadd.s32 $0xFFFF3800  }
0x2a: {  	[hbm4b:s9+s3] =	stream.linear.scatter [tilespmem:s21], [sflag:$0x6], $0xC800, $0x38;
	[tilespmem:$0x19400] =	vst v63  }
0x2b: {  	_ =	swait.ge [sflag:s23], $0xC800  }
0x2c: {  	[sflag:s23] =	ssyncset.done $0x0  }
0x2d: {  	[sflag:s23] =	ssyncadd.s32 $0xFFFF3800  }
0x2e: {  	_ =	swait.ge [sflag:s15], $0x190  }
0x2f: {  	[sflag:s15] =	ssyncset.done $0x0  }
0x30: {  	[sflag:s15] =	ssyncadd.s32 $0xFFFFFE70  }
0x31: {  	[tilespmem:s17], [sflag:$0x3] =	stream.indirect.gather [hbm4b:s1+s16], $0x80, s3, s16, $0xb8;
	[tilespmem:$0x19400] =	vst v63  }
0x32: {  	s26 =	sadd.s32 $0x0, s13  }
0x33: {  	[tilespmem:s18], [sflag:$0x2] =	stream.linear.gather [hbm4b:s26+s3], $0x190, $0x38;
	[tilespmem:$0x19400] =	vst v63  }
0x34: {  	_ =	swait.ge [sflag:s19], $0xC800  }
0x35: {  	[sflag:s19] =	ssyncset.done $0x0  }
0x36: {  	s30 =	sadd.s32 $0xFFFFE700, s11;
	[sflag:s19] =	ssyncadd.s32 $0xFFFF3800  }
0x37: {  	[hbm4b:s30+s3] =	stream.linear.scatter [tilespmem:s17], [sflag:$0x5], $0xC800, $0x38;
	[tilespmem:$0x19400] =	vst v63  }
0x38: {  	_ =	swait.ge [sflag:s24], $0xC800  }
0x39: {  	[sflag:s24] =	ssyncset.done $0x0  }
0x3a: {  	[sflag:s24] =	ssyncadd.s32 $0xFFFF3800  }
0x3b: {  	_ =	swait.ge [sflag:s20], $0x190  }
0x3c: {  	[sflag:s20] =	ssyncset.done $0x0  }
0x3d: {  	[sflag:s20] =	ssyncadd.s32 $0xFFFFFE70  }
0x3e: {  	[tilespmem:s21], [sflag:$0x4] =	stream.indirect.gather [hbm4b:s1+s16], $0x80, s18, s16, $0xb8;
	[tilespmem:$0x19400] =	vst v63  }
0x3f: {  	s31 =	sadd.s32 $0x0, s14  }
0x40: {  	[tilespmem:s3], [sflag:$0x1] =	stream.linear.gather [hbm4b:s31+s3], $0x190, $0x38;
	[tilespmem:$0x19400] =	vst v63  }
0x41: {  	_ =	swait.ge [sflag:s22], $0xC800  }
0x42: {  	s28 =	simm.s32 $0x64;
	[sflag:s22] =	ssyncset.done $0x0  }
0x43: {  	s29 =	smov.u32 s11;
	s26 =	sadd.s32 $0x3200, s11;
	[sflag:s22] =	ssyncadd.s32 $0xFFFF3800  }
.LBB2_2:
0x44: {  	[hbm4b:s29+s3] =	stream.linear.scatter [tilespmem:s21], [sflag:$0x6], $0xC800, $0x38;
	[tilespmem:$0x19400] =	vst v63  }
0x45: {  	s30 =	smov.u32 s28;
	s28 =	sadd.s32 $0x64, s28;
	_ =	swait.ge [sflag:s23], $0xC800  }
0x46: {  	s29 =	smov.u32 s26;
	p0 =	sne.s32 s28, $0xBB8;
	[sflag:s23] =	ssyncset.done $0x0  }
0x47: {  	[sflag:s23] =	ssyncadd.s32 $0xFFFF3800  }
0x48: {  	_ =	swait.ge [sflag:s15], $0x190  }
0x49: {  	[sflag:s15] =	ssyncset.done $0x0  }
0x4a: {  	[sflag:s15] =	ssyncadd.s32 $0xFFFFFE70  }
0x4b: {  	[tilespmem:s17], [sflag:$0x3] =	stream.indirect.gather [hbm4b:s1+s16], $0x80, s3, s16, $0xb8;
	[tilespmem:$0x19400] =	vst v63  }
0x4c: {  	s31 =	sadd.s32 s30, s13  }
0x4d: {  	[tilespmem:s18], [sflag:$0x2] =	stream.linear.gather [hbm4b:s31+s3], $0x190, $0x38;
	[tilespmem:$0x19400] =	vst v63  }
0x4e: {  	_ =	swait.ge [sflag:s19], $0xC800  }
0x4f: {  	[sflag:s19] =	ssyncset.done $0x0  }
0x50: {  	s31 =	sadd.s32 $0xFFFFE700, s26;
	[sflag:s19] =	ssyncadd.s32 $0xFFFF3800  }
0x51: {  	[hbm4b:s31+s3] =	stream.linear.scatter [tilespmem:s17], [sflag:$0x5], $0xC800, $0x38;
	[tilespmem:$0x19400] =	vst v63  }
0x52: {  	_ =	swait.ge [sflag:s24], $0xC800  }
0x53: {  	[sflag:s24] =	ssyncset.done $0x0  }
0x54: {  	[sflag:s24] =	ssyncadd.s32 $0xFFFF3800  }
0x55: {  	_ =	swait.ge [sflag:s20], $0x190  }
0x56: {  	[sflag:s20] =	ssyncset.done $0x0  }
0x57: {  	[sflag:s20] =	ssyncadd.s32 $0xFFFFFE70  }
0x58: {  	[tilespmem:s21], [sflag:$0x4] =	stream.indirect.gather [hbm4b:s1+s16], $0x80, s18, s16, $0xb8;
	[tilespmem:$0x19400] =	vst v63  }
.Ltmp0:
0x59: {  	s30 =	sadd.s32 s30, s14;
	(pc) =	sbr.rel @p0 .LBB2_2-.Ltmp0, $4  }
0x5a: {  	[tilespmem:s3], [sflag:$0x1] =	stream.linear.gather [hbm4b:s30+s3], $0x190, $0x38;
	[tilespmem:$0x19400] =	vst v63  }
0x5b: {  	_ =	swait.ge [sflag:s22], $0xC800  }
0x5c: {  	[sflag:s22] =	ssyncset.done $0x0  }
0x5d: {  	s26 =	sadd.s32 $0x3200, s26;
	[sflag:s22] =	ssyncadd.s32 $0xFFFF3800  }
0x5e: {  	[hbm4b:s29+s3] =	stream.linear.scatter [tilespmem:s21], [sflag:$0x6], $0xC800, $0x38;
	[tilespmem:$0x19400] =	vst v63  }
0x5f: {  	_ =	swait.ge [sflag:s23], $0xC800  }
0x60: {  	[sflag:s23] =	ssyncset.done $0x0  }
0x61: {  	[sflag:s23] =	ssyncadd.s32 $0xFFFF3800  }
0x62: {  	_ =	swait.ge [sflag:s15], $0x190  }
0x63: {  	[sflag:s15] =	ssyncset.done $0x0  }
0x64: {  	[sflag:s15] =	ssyncadd.s32 $0xFFFFFE70  }
0x65: {  	[tilespmem:s17], [sflag:$0x3] =	stream.indirect.gather [hbm4b:s1+s16], $0x80, s3, s16, $0xb8;
	[tilespmem:$0x19400] =	vst v63  }
0x66: {  	s28 =	sadd.s32 s28, s12  }
0x67: {  	[tilespmem:s18], [sflag:$0x2] =	stream.linear.gather [hbm4b:s28+s3], $0x190, $0x38;
	[tilespmem:$0x19400] =	vst v63  }
0x68: {  	_ =	swait.ge [sflag:s19], $0xC800  }
0x69: {  	[sflag:s19] =	ssyncset.done $0x0  }
0x6a: {  	[sflag:s19] =	ssyncadd.s32 $0xFFFF3800  }
0x6b: {  	[hbm4b:s10+s3] =	stream.linear.scatter [tilespmem:s17], [sflag:$0x5], $0xC800, $0x38;
	[tilespmem:$0x19400] =	vst v63  }
0x6c: {  	_ =	swait.ge [sflag:s24], $0xC800  }
0x6d: {  	[sflag:s24] =	ssyncset.done $0x0  }
0x6e: {  	[sflag:s24] =	ssyncadd.s32 $0xFFFF3800  }
0x6f: {  	_ =	swait.ge [sflag:s20], $0x190  }
0x70: {  	[sflag:s20] =	ssyncset.done $0x0  }
0x71: {  	[sflag:s20] =	ssyncadd.s32 $0xFFFFFE70  }
0x72: {  	[tilespmem:s21], [sflag:$0x4] =	stream.indirect.gather [hbm4b:s1+s16], $0x80, s18, s16, $0xb8;
	[tilespmem:$0x19400] =	vst v63  }
0x73: {  	_ =	swait.ge [sflag:s22], $0xC800  }
0x74: {  	[sflag:s22] =	ssyncset.done $0x0  }
0x75: {  	s25 =	sadd.s32 $0x1, s25;
	[sflag:s22] =	ssyncadd.s32 $0xFFFF3800  }
0x76: {  	[hbm4b:s26+s3] =	stream.linear.scatter [tilespmem:s21], [sflag:$0x6], $0xC800, $0x38;
	[tilespmem:$0x19400] =	vst v63  }
0x77: {  	p0 =	sne.s32 s25, s5;
	_ =	swait.ge [sflag:s23], $0xC800  }
.Ltmp1:
0x78: {  	[sflag:s23] =	ssyncset.done $0x0;
	(pc) =	sbr.rel @p0 .LBB2_1-.Ltmp1, $4  }
0x79: {  	[sflag:s23] =	ssyncadd.s32 $0xFFFF3800  }
0x7a: {  	_ =	swait.ge [sflag:s24], $0xC800  }
0x7b: {  	[sflag:s24] =	ssyncset.done $0x0  }
0x7c: {  	[sflag:s24] =	ssyncadd.s32 $0xFFFF3800  }
0x7d: {  	_ =	sfence.sel $0x180000  }
0x7e: {  	[bflag:$0x0] =	sbarrier.arrive $0xFFFF  }
0x7f: {  	p0 =	sne.s32 s0, $0x0;
	_ =	strace $0x90000047  }
0x80: {  	s0 =	sadd.s32 @!p0 $0x100000, s2;
	[bflag:$0x2] =	sbarrier.arrive $0xFFFF  }
0x81: {  	[sflag:s0] =	ssyncadd.tile.s32 @!p0 $0x1;
	_ =	shalt  }
.Lfunc_end2:
_tile_overlayer_lowered:
.L_overlay_start_2:
0x82: {  	(tag) =	ssettag $0x2  }
0x83: {  	s0 =	rddreg [dreg:$0x0];
	s2 =	stileid.u32  }
0x84: {  	s1 =	rddreg [dreg:$0x1];
	p0 =	sne.s32 s2, $0x0  }
0x85: {  	s3 =	rddreg [dreg:$0x2];
	[bflag:$0x3] =	sbarrier.arrive $0xFFFF;
	s2 =	simm.s32 @!p0 $0x1C07  }
0x86: {  	[timem:s3], [sflag:s2] =	dma.local @!p0 [hbm:s0], s1  }
0x87: {  	s0 =	simm.s32 @!p0 $0x7  }
0x88: {  	_ =	swait.ge @!p0 [sflag:s0], s1  }
0x89: {  	s1 =	ssub.s32 @!p0 $0x0, s1;
	[sflag:s0] =	ssyncset.done @!p0 $0x0  }
0x8a: {  	[sflag:s0] =	ssyncadd.s32 @!p0 s1  }
0x8b: {  	[bflag:$0x3] =	sbarrier.arrive $0xFFFF  }
0x8c: {  	_ =	shalt  }

</sc_bundles>
